<compile_context>
chip_gen: v7x
topology: tpu7x:2x2x1
jax: 0.10.2.dev20260603
libtpu: 0.0.44.dev20260713+nightly
codegen_flags: <defaults>
</compile_context>

<pallas_src>
import jax
import jax.numpy as jnp
from jax import lax
from jax.experimental import pallas as pl
from jax.experimental.pallas import tpu as pltpu
from jax.experimental.pallas import tpu_sc as plsc

N_SITES = 20
N_STATES = 2 ** N_SITES
BATCH = 16384

NUM_CORES = 2
NUM_SUBCORES = 16
LANES = 16
NUM_WORKERS = NUM_CORES * NUM_SUBCORES
B_PER_W = BATCH // NUM_WORKERS
CHUNK = 128
N_CHUNKS = B_PER_W // CHUNK
GROUPS_PER_CHUNK = CHUNK // LANES


def _sc_body(xt_hbm, table_hbm, out_hbm, x_v, idx_v, out_v, gsem):
    wid = lax.axis_index("s") * NUM_CORES + lax.axis_index("c")
    base = wid * B_PER_W

    pltpu.sync_copy(xt_hbm.at[:, pl.ds(base, B_PER_W)], x_v)

    def pack_group(g, _):
        sl = pl.ds(g * LANES, LANES)
        num = x_v[0, sl]
        for s in range(1, N_SITES):
            num = num * 2 + x_v[s, sl]
        idx_v[sl] = num
        return _

    lax.fori_loop(0, B_PER_W // LANES, pack_group, None)

    gathers = []
    for j in range(N_CHUNKS):
        cs = pl.ds(j * CHUNK, CHUNK)
        gathers.append(
            pltpu.async_copy(table_hbm.at[idx_v.at[cs]], out_v.at[cs], gsem))
    for c in gathers:
        c.wait()

    pltpu.sync_copy(out_v, out_hbm.at[pl.ds(base, B_PER_W)])


@jax.jit
def kernel(x_in, logstate):
    xt = x_in.T
    mesh = plsc.VectorSubcoreMesh(core_axis_name="c", subcore_axis_name="s")
    run = pl.kernel(
        _sc_body,
        mesh=mesh,
        out_type=jax.ShapeDtypeStruct((BATCH,), jnp.float32),
        scratch_types=[
            pltpu.VMEM((N_SITES, B_PER_W), jnp.int32),
            pltpu.VMEM((B_PER_W,), jnp.int32),
            pltpu.VMEM((B_PER_W,), jnp.float32),
            pltpu.SemaphoreType.DMA,
        ],
    )
    return run(xt, logstate)

# --- scband reference (transcript-rebuilt; emitter-appended) ---
"""Pipeline reference for scband-log-state-vector-87900800680613 (READ-ONLY COPY).

The authoritative reference and input builder live on the scoring server;
editing this copy changes nothing except your own understanding.
"""

import jax, jax.numpy as jnp
import numpy as np

N_SITES = 20
N_STATES = 2 ** N_SITES  # 1048576
BATCH = 16384


def setup_inputs(seed: int = 0) -> dict:
    key = jax.random.key(seed)
    k1, k2 = jax.random.split(key)
    # Batch of basis-state configurations, one of 2 local states per site (0/1).
    x_in = jax.random.randint(k1, (BATCH, N_SITES), 0, 2).astype(jnp.int32)
    # Learned parameter: full log-wavefunction vector over the indexable Hilbert space.
    # Default initializer in the module is nn.initializers.ones (uniform state).
    logstate = jnp.ones((N_STATES,), dtype=jnp.float32)
    return {"x_in": x_in, "logstate": logstate}


def states_to_numbers(x_in):
    # Faithful translation of DiscreteHilbert.states_to_numbers for a 2-level,
    # 20-site space: interpret the configuration as a big-endian base-2 number.
    powers = (2 ** jnp.arange(N_SITES - 1, -1, -1)).astype(jnp.int32)
    return jnp.sum(x_in * powers, axis=-1)


def reference(x_in, logstate):
    numbers = states_to_numbers(x_in)
    # Embedding lookup: gather one log-amplitude per input configuration.
    return logstate[numbers]

if __name__ == "__main__":
    import jax
    _d = setup_inputs()
    print(jax.jit(kernel)(*tuple(_d.values())))

</pallas_src>

<mosaic_0001>
#map = affine_map<(d0, d1) -> (0, 0)>
#map1 = affine_map<(d0, d1) -> (0)>
module attributes {stable_mosaic.version = 14 : i64} {
  func.func @_sc_body(%arg0: i32, %arg1: i32, %arg2: memref<20x16384xi32, #tpu.memory_space<hbm>>, %arg3: memref<1048576xf32, #tpu.memory_space<hbm>>, %arg4: memref<16384xf32, #tpu.memory_space<hbm>>, %arg5: memref<20x512xi32, #tpu.memory_space<vmem>>, %arg6: memref<512xi32, #tpu.memory_space<vmem>>, %arg7: memref<512xf32, #tpu.memory_space<vmem>>, %arg8: memref<!tpu.dma_semaphore, #tpu.memory_space<semaphore_mem>>) attributes {dimension_semantics = [#tpu.dimension_semantics<core_parallel>, #tpu.dimension_semantics<subcore_parallel>], iteration_bounds = array<i64: 2, 16>, scalar_prefetch = 0 : i64, scratch_operands = 4 : i64, tpu.core_type = #tpu.core_type<sc_vector_subcore>, window_params = [{transform_indices = #map}, {transform_indices = #map1}, {transform_indices = #map1}]} {
    %mul3A = arith.constant 2 : i32
    %mul3A_0 = arith.muli %arg1, %mul3A : i32
    %add3A = arith.addi %mul3A_0, %arg0 : i32
    %mul3A_1 = arith.constant 512 : i32
    %mul3A_2 = arith.muli %add3A, %mul3A_1 : i32
    "tpu.region"() ({
      %run_scoped3A = tpu.sem_alloc : memref<!tpu.dma_semaphore, #tpu.memory_space<semaphore_mem>>
      %dma_start3A_53 = arith.constant 0 : i32
      %dma_start3A_54 = tpu.memref_slice %arg2[%dma_start3A_53, %mul3A_2] : memref<20x16384xi32, #tpu.memory_space<hbm>> -> memref<20x512xi32, #tpu.memory_space<hbm>>
      %dma_start3A_55 = arith.constant 0 : i32
      %dma_start3A_56 = tpu.memref_slice %arg2[%dma_start3A_55, %mul3A_2] : memref<20x16384xi32, #tpu.memory_space<hbm>> -> memref<20x512xi32, #tpu.memory_space<hbm>>
      tpu.enqueue_dma source(%dma_start3A_56 : memref<20x512xi32, #tpu.memory_space<hbm>>) target(%arg5 : memref<20x512xi32, #tpu.memory_space<vmem>>) target_semaphore(%run_scoped3A : memref<!tpu.dma_semaphore, #tpu.memory_space<semaphore_mem>>)
      %dma_wait3A_57 = arith.constant 0 : i32
      %dma_wait3A_58 = tpu.memref_slice %arg2[%dma_wait3A_57, %mul3A_2] : memref<20x16384xi32, #tpu.memory_space<hbm>> -> memref<20x512xi32, #tpu.memory_space<hbm>>
      %dma_wait3A_59 = arith.constant 0 : i32
      %dma_wait3A_60 = tpu.memref_slice %arg2[%dma_wait3A_59, %mul3A_2] : memref<20x16384xi32, #tpu.memory_space<hbm>> -> memref<20x512xi32, #tpu.memory_space<hbm>>
      tpu.wait_dma2 semaphore(%run_scoped3A : memref<!tpu.dma_semaphore, #tpu.memory_space<semaphore_mem>>) src(%dma_wait3A_60 : memref<20x512xi32, #tpu.memory_space<hbm>>) dst(%arg5 : memref<20x512xi32, #tpu.memory_space<vmem>>)
      tpu.yield
    }) : () -> ()
    %scan3A = arith.constant 0 : i32
    %scan3A_3 = arith.constant 32 : i32
    %scan3A_4 = arith.addi %scan3A, %scan3A_3 : i32
    %scan3A_5 = arith.constant 1 : i32
    scf.for %scan3A_53 = %scan3A to %scan3A_4 step %scan3A_5  : i32 {
      %mul3A_54 = arith.constant 16 : i32
      %mul3A_55 = arith.muli %scan3A_53, %mul3A_54 : i32
      %get3A = arith.constant 0 : i32
      %get3A_56 = arith.index_cast %get3A : i32 to index
      %get3A_57 = arith.index_cast %mul3A_55 : i32 to index
      %get3A_58 = tpu.vector_load %arg5[%get3A_56, %get3A_57] {strides = array<i32>} : memref<20x512xi32, #tpu.memory_space<vmem>>, vector<1x16xi32>,
      %get3A_59 = vector.shape_cast %get3A_58 : vector<1x16xi32> to vector<16xi32>
      %mul3A_60 = arith.constant 2 : i32
      %mul3A_61 = vector.broadcast %mul3A_60 : i32 to vector<16xi32>
      %mul3A_62 = arith.muli %get3A_59, %mul3A_61 : vector<16xi32>
      %get3A_63 = arith.constant 1 : i32
      %get3A_64 = arith.index_cast %get3A_63 : i32 to index
      %get3A_65 = arith.index_cast %mul3A_55 : i32 to index
      %get3A_66 = tpu.vector_load %arg5[%get3A_64, %get3A_65] {strides = array<i32>} : memref<20x512xi32, #tpu.memory_space<vmem>>, vector<1x16xi32>,
      %get3A_67 = vector.shape_cast %get3A_66 : vector<1x16xi32> to vector<16xi32>
      %add3A_68 = arith.addi %mul3A_62, %get3A_67 : vector<16xi32>
      %mul3A_69 = arith.constant 2 : i32
      %mul3A_70 = vector.broadcast %mul3A_69 : i32 to vector<16xi32>
      %mul3A_71 = arith.muli %add3A_68, %mul3A_70 : vector<16xi32>
      %get3A_72 = arith.constant 2 : i32
      %get3A_73 = arith.index_cast %get3A_72 : i32 to index
      %get3A_74 = arith.index_cast %mul3A_55 : i32 to index
      %get3A_75 = tpu.vector_load %arg5[%get3A_73, %get3A_74] {strides = array<i32>} : memref<20x512xi32, #tpu.memory_space<vmem>>, vector<1x16xi32>,
      %get3A_76 = vector.shape_cast %get3A_75 : vector<1x16xi32> to vector<16xi32>
      %add3A_77 = arith.addi %mul3A_71, %get3A_76 : vector<16xi32>
      %mul3A_78 = arith.constant 2 : i32
      %mul3A_79 = vector.broadcast %mul3A_78 : i32 to vector<16xi32>
      %mul3A_80 = arith.muli %add3A_77, %mul3A_79 : vector<16xi32>
      %get3A_81 = arith.constant 3 : i32
      %get3A_82 = arith.index_cast %get3A_81 : i32 to index
      %get3A_83 = arith.index_cast %mul3A_55 : i32 to index
      %get3A_84 = tpu.vector_load %arg5[%get3A_82, %get3A_83] {strides = array<i32>} : memref<20x512xi32, #tpu.memory_space<vmem>>, vector<1x16xi32>,
      %get3A_85 = vector.shape_cast %get3A_84 : vector<1x16xi32> to vector<16xi32>
      %add3A_86 = arith.addi %mul3A_80, %get3A_85 : vector<16xi32>
      %mul3A_87 = arith.constant 2 : i32
      %mul3A_88 = vector.broadcast %mul3A_87 : i32 to vector<16xi32>
      %mul3A_89 = arith.muli %add3A_86, %mul3A_88 : vector<16xi32>
      %get3A_90 = arith.constant 4 : i32
      %get3A_91 = arith.index_cast %get3A_90 : i32 to index
      %get3A_92 = arith.index_cast %mul3A_55 : i32 to index
      %get3A_93 = tpu.vector_load %arg5[%get3A_91, %get3A_92] {strides = array<i32>} : memref<20x512xi32, #tpu.memory_space<vmem>>, vector<1x16xi32>,
      %get3A_94 = vector.shape_cast %get3A_93 : vector<1x16xi32> to vector<16xi32>
      %add3A_95 = arith.addi %mul3A_89, %get3A_94 : vector<16xi32>
      %mul3A_96 = arith.constant 2 : i32
      %mul3A_97 = vector.broadcast %mul3A_96 : i32 to vector<16xi32>
      %mul3A_98 = arith.muli %add3A_95, %mul3A_97 : vector<16xi32>
      %get3A_99 = arith.constant 5 : i32
      %get3A_100 = arith.index_cast %get3A_99 : i32 to index
      %get3A_101 = arith.index_cast %mul3A_55 : i32 to index
      %get3A_102 = tpu.vector_load %arg5[%get3A_100, %get3A_101] {strides = array<i32>} : memref<20x512xi32, #tpu.memory_space<vmem>>, vector<1x16xi32>,
      %get3A_103 = vector.shape_cast %get3A_102 : vector<1x16xi32> to vector<16xi32>
      %add3A_104 = arith.addi %mul3A_98, %get3A_103 : vector<16xi32>
      %mul3A_105 = arith.constant 2 : i32
      %mul3A_106 = vector.broadcast %mul3A_105 : i32 to vector<16xi32>
      %mul3A_107 = arith.muli %add3A_104, %mul3A_106 : vector<16xi32>
      %get3A_108 = arith.constant 6 : i32
      %get3A_109 = arith.index_cast %get3A_108 : i32 to index
      %get3A_110 = arith.index_cast %mul3A_55 : i32 to index
      %get3A_111 = tpu.vector_load %arg5[%get3A_109, %get3A_110] {strides = array<i32>} : memref<20x512xi32, #tpu.memory_space<vmem>>, vector<1x16xi32>,
      %get3A_112 = vector.shape_cast %get3A_111 : vector<1x16xi32> to vector<16xi32>
      %add3A_113 = arith.addi %mul3A_107, %get3A_112 : vector<16xi32>
      %mul3A_114 = arith.constant 2 : i32
      %mul3A_115 = vector.broadcast %mul3A_114 : i32 to vector<16xi32>
      %mul3A_116 = arith.muli %add3A_113, %mul3A_115 : vector<16xi32>
      %get3A_117 = arith.constant 7 : i32
      %get3A_118 = arith.index_cast %get3A_117 : i32 to index
      %get3A_119 = arith.index_cast %mul3A_55 : i32 to index
      %get3A_120 = tpu.vector_load %arg5[%get3A_118, %get3A_119] {strides = array<i32>} : memref<20x512xi32, #tpu.memory_space<vmem>>, vector<1x16xi32>,
      %get3A_121 = vector.shape_cast %get3A_120 : vector<1x16xi32> to vector<16xi32>
      %add3A_122 = arith.addi %mul3A_116, %get3A_121 : vector<16xi32>
      %mul3A_123 = arith.constant 2 : i32
      %mul3A_124 = vector.broadcast %mul3A_123 : i32 to vector<16xi32>
      %mul3A_125 = arith.muli %add3A_122, %mul3A_124 : vector<16xi32>
      %get3A_126 = arith.constant 8 : i32
      %get3A_127 = arith.index_cast %get3A_126 : i32 to index
      %get3A_128 = arith.index_cast %mul3A_55 : i32 to index
      %get3A_129 = tpu.vector_load %arg5[%get3A_127, %get3A_128] {strides = array<i32>} : memref<20x512xi32, #tpu.memory_space<vmem>>, vector<1x16xi32>,
      %get3A_130 = vector.shape_cast %get3A_129 : vector<1x16xi32> to vector<16xi32>
      %add3A_131 = arith.addi %mul3A_125, %get3A_130 : vector<16xi32>
      %mul3A_132 = arith.constant 2 : i32
      %mul3A_133 = vector.broadcast %mul3A_132 : i32 to vector<16xi32>
      %mul3A_134 = arith.muli %add3A_131, %mul3A_133 : vector<16xi32>
      %get3A_135 = arith.constant 9 : i32
      %get3A_136 = arith.index_cast %get3A_135 : i32 to index
      %get3A_137 = arith.index_cast %mul3A_55 : i32 to index
      %get3A_138 = tpu.vector_load %arg5[%get3A_136, %get3A_137] {strides = array<i32>} : memref<20x512xi32, #tpu.memory_space<vmem>>, vector<1x16xi32>,
      %get3A_139 = vector.shape_cast %get3A_138 : vector<1x16xi32> to vector<16xi32>
      %add3A_140 = arith.addi %mul3A_134, %get3A_139 : vector<16xi32>
      %mul3A_141 = arith.constant 2 : i32
      %mul3A_142 = vector.broadcast %mul3A_141 : i32 to vector<16xi32>
      %mul3A_143 = arith.muli %add3A_140, %mul3A_142 : vector<16xi32>
      %get3A_144 = arith.constant 10 : i32
      %get3A_145 = arith.index_cast %get3A_144 : i32 to index
      %get3A_146 = arith.index_cast %mul3A_55 : i32 to index
      %get3A_147 = tpu.vector_load %arg5[%get3A_145, %get3A_146] {strides = array<i32>} : memref<20x512xi32, #tpu.memory_space<vmem>>, vector<1x16xi32>,
      %get3A_148 = vector.shape_cast %get3A_147 : vector<1x16xi32> to vector<16xi32>
      %add3A_149 = arith.addi %mul3A_143, %get3A_148 : vector<16xi32>
      %mul3A_150 = arith.constant 2 : i32
      %mul3A_151 = vector.broadcast %mul3A_150 : i32 to vector<16xi32>
      %mul3A_152 = arith.muli %add3A_149, %mul3A_151 : vector<16xi32>
      %get3A_153 = arith.constant 11 : i32
      %get3A_154 = arith.index_cast %get3A_153 : i32 to index
      %get3A_155 = arith.index_cast %mul3A_55 : i32 to index
      %get3A_156 = tpu.vector_load %arg5[%get3A_154, %get3A_155] {strides = array<i32>} : memref<20x512xi32, #tpu.memory_space<vmem>>, vector<1x16xi32>,
      %get3A_157 = vector.shape_cast %get3A_156 : vector<1x16xi32> to vector<16xi32>
      %add3A_158 = arith.addi %mul3A_152, %get3A_157 : vector<16xi32>
      %mul3A_159 = arith.constant 2 : i32
      %mul3A_160 = vector.broadcast %mul3A_159 : i32 to vector<16xi32>
      %mul3A_161 = arith.muli %add3A_158, %mul3A_160 : vector<16xi32>
      %get3A_162 = arith.constant 12 : i32
      %get3A_163 = arith.index_cast %get3A_162 : i32 to index
      %get3A_164 = arith.index_cast %mul3A_55 : i32 to index
      %get3A_165 = tpu.vector_load %arg5[%get3A_163, %get3A_164] {strides = array<i32>} : memref<20x512xi32, #tpu.memory_space<vmem>>, vector<1x16xi32>,
      %get3A_166 = vector.shape_cast %get3A_165 : vector<1x16xi32> to vector<16xi32>
      %add3A_167 = arith.addi %mul3A_161, %get3A_166 : vector<16xi32>
      %mul3A_168 = arith.constant 2 : i32
      %mul3A_169 = vector.broadcast %mul3A_168 : i32 to vector<16xi32>
      %mul3A_170 = arith.muli %add3A_167, %mul3A_169 : vector<16xi32>
      %get3A_171 = arith.constant 13 : i32
      %get3A_172 = arith.index_cast %get3A_171 : i32 to index
      %get3A_173 = arith.index_cast %mul3A_55 : i32 to index
      %get3A_174 = tpu.vector_load %arg5[%get3A_172, %get3A_173] {strides = array<i32>} : memref<20x512xi32, #tpu.memory_space<vmem>>, vector<1x16xi32>,
      %get3A_175 = vector.shape_cast %get3A_174 : vector<1x16xi32> to vector<16xi32>
      %add3A_176 = arith.addi %mul3A_170, %get3A_175 : vector<16xi32>
      %mul3A_177 = arith.constant 2 : i32
      %mul3A_178 = vector.broadcast %mul3A_177 : i32 to vector<16xi32>
      %mul3A_179 = arith.muli %add3A_176, %mul3A_178 : vector<16xi32>
      %get3A_180 = arith.constant 14 : i32
      %get3A_181 = arith.index_cast %get3A_180 : i32 to index
      %get3A_182 = arith.index_cast %mul3A_55 : i32 to index
      %get3A_183 = tpu.vector_load %arg5[%get3A_181, %get3A_182] {strides = array<i32>} : memref<20x512xi32, #tpu.memory_space<vmem>>, vector<1x16xi32>,
      %get3A_184 = vector.shape_cast %get3A_183 : vector<1x16xi32> to vector<16xi32>
      %add3A_185 = arith.addi %mul3A_179, %get3A_184 : vector<16xi32>
      %mul3A_186 = arith.constant 2 : i32
      %mul3A_187 = vector.broadcast %mul3A_186 : i32 to vector<16xi32>
      %mul3A_188 = arith.muli %add3A_185, %mul3A_187 : vector<16xi32>
      %get3A_189 = arith.constant 15 : i32
      %get3A_190 = arith.index_cast %get3A_189 : i32 to index
      %get3A_191 = arith.index_cast %mul3A_55 : i32 to index
      %get3A_192 = tpu.vector_load %arg5[%get3A_190, %get3A_191] {strides = array<i32>} : memref<20x512xi32, #tpu.memory_space<vmem>>, vector<1x16xi32>,
      %get3A_193 = vector.shape_cast %get3A_192 : vector<1x16xi32> to vector<16xi32>
      %add3A_194 = arith.addi %mul3A_188, %get3A_193 : vector<16xi32>
      %mul3A_195 = arith.constant 2 : i32
      %mul3A_196 = vector.broadcast %mul3A_195 : i32 to vector<16xi32>
      %mul3A_197 = arith.muli %add3A_194, %mul3A_196 : vector<16xi32>
      %get3A_198 = arith.constant 16 : i32
      %get3A_199 = arith.index_cast %get3A_198 : i32 to index
      %get3A_200 = arith.index_cast %mul3A_55 : i32 to index
      %get3A_201 = tpu.vector_load %arg5[%get3A_199, %get3A_200] {strides = array<i32>} : memref<20x512xi32, #tpu.memory_space<vmem>>, vector<1x16xi32>,
      %get3A_202 = vector.shape_cast %get3A_201 : vector<1x16xi32> to vector<16xi32>
      %add3A_203 = arith.addi %mul3A_197, %get3A_202 : vector<16xi32>
      %mul3A_204 = arith.constant 2 : i32
      %mul3A_205 = vector.broadcast %mul3A_204 : i32 to vector<16xi32>
      %mul3A_206 = arith.muli %add3A_203, %mul3A_205 : vector<16xi32>
      %get3A_207 = arith.constant 17 : i32
      %get3A_208 = arith.index_cast %get3A_207 : i32 to index
      %get3A_209 = arith.index_cast %mul3A_55 : i32 to index
      %get3A_210 = tpu.vector_load %arg5[%get3A_208, %get3A_209] {strides = array<i32>} : memref<20x512xi32, #tpu.memory_space<vmem>>, vector<1x16xi32>,
      %get3A_211 = vector.shape_cast %get3A_210 : vector<1x16xi32> to vector<16xi32>
      %add3A_212 = arith.addi %mul3A_206, %get3A_211 : vector<16xi32>
      %mul3A_213 = arith.constant 2 : i32
      %mul3A_214 = vector.broadcast %mul3A_213 : i32 to vector<16xi32>
      %mul3A_215 = arith.muli %add3A_212, %mul3A_214 : vector<16xi32>
      %get3A_216 = arith.constant 18 : i32
      %get3A_217 = arith.index_cast %get3A_216 : i32 to index
      %get3A_218 = arith.index_cast %mul3A_55 : i32 to index
      %get3A_219 = tpu.vector_load %arg5[%get3A_217, %get3A_218] {strides = array<i32>} : memref<20x512xi32, #tpu.memory_space<vmem>>, vector<1x16xi32>,
      %get3A_220 = vector.shape_cast %get3A_219 : vector<1x16xi32> to vector<16xi32>
      %add3A_221 = arith.addi %mul3A_215, %get3A_220 : vector<16xi32>
      %mul3A_222 = arith.constant 2 : i32
      %mul3A_223 = vector.broadcast %mul3A_222 : i32 to vector<16xi32>
      %mul3A_224 = arith.muli %add3A_221, %mul3A_223 : vector<16xi32>
      %get3A_225 = arith.constant 19 : i32
      %get3A_226 = arith.index_cast %get3A_225 : i32 to index
      %get3A_227 = arith.index_cast %mul3A_55 : i32 to index
      %get3A_228 = tpu.vector_load %arg5[%get3A_226, %get3A_227] {strides = array<i32>} : memref<20x512xi32, #tpu.memory_space<vmem>>, vector<1x16xi32>,
      %get3A_229 = vector.shape_cast %get3A_228 : vector<1x16xi32> to vector<16xi32>
      %add3A_230 = arith.addi %mul3A_224, %get3A_229 : vector<16xi32>
      %swap3A = arith.index_cast %mul3A_55 : i32 to index
      %swap3A_231 = tpu.vector_load %arg6[%swap3A] {strides = array<i32>} : memref<512xi32, #tpu.memory_space<vmem>>, vector<16xi32>,
      %swap3A_232 = vector.shape_cast %swap3A_231 : vector<16xi32> to vector<16xi32>
      %swap3A_233 = vector.shape_cast %add3A_230 : vector<16xi32> to vector<16xi32>
      tpu.vector_store %arg6[%swap3A], %swap3A_233 {strides = array<i32>} : memref<512xi32, #tpu.memory_space<vmem>>, vector<16xi32>,
    }
    %scan3A_6 = arith.constant 32 : i32
    %dma_start3A = arith.constant 0 : i32
    %dma_start3A_7 = tpu.memref_slice %arg7[%dma_start3A] : memref<512xf32, #tpu.memory_space<vmem>> -> memref<128xf32, #tpu.memory_space<vmem>>
    %dma_start3A_8 = arith.constant 0 : i32
    %dma_start3A_9 = tpu.memref_slice %arg6[%dma_start3A_8] : memref<512xi32, #tpu.memory_space<vmem>> -> memref<128xi32, #tpu.memory_space<vmem>>
    %dma_start3A_10 = arith.constant 0 : i32
    %dma_start3A_11 = tpu.memref_slice %arg3[%dma_start3A_10] : memref<1048576xf32, #tpu.memory_space<hbm>> -> memref<1048576xf32, #tpu.memory_space<hbm>>
    tpu.enqueue_indirect_dma source(%dma_start3A_11 : memref<1048576xf32, #tpu.memory_space<hbm>>) target(%dma_start3A_7 : memref<128xf32, #tpu.memory_space<vmem>>) offsets(%dma_start3A_9 : memref<128xi32, #tpu.memory_space<vmem>>) semaphore(%arg8 : memref<!tpu.dma_semaphore, #tpu.memory_space<semaphore_mem>>)
    %dma_start3A_12 = arith.constant 128 : i32
    %dma_start3A_13 = tpu.memref_slice %arg7[%dma_start3A_12] : memref<512xf32, #tpu.memory_space<vmem>> -> memref<128xf32, #tpu.memory_space<vmem>>
    %dma_start3A_14 = arith.constant 128 : i32
    %dma_start3A_15 = tpu.memref_slice %arg6[%dma_start3A_14] : memref<512xi32, #tpu.memory_space<vmem>> -> memref<128xi32, #tpu.memory_space<vmem>>
    %dma_start3A_16 = arith.constant 0 : i32
    %dma_start3A_17 = tpu.memref_slice %arg3[%dma_start3A_16] : memref<1048576xf32, #tpu.memory_space<hbm>> -> memref<1048576xf32, #tpu.memory_space<hbm>>
    tpu.enqueue_indirect_dma source(%dma_start3A_17 : memref<1048576xf32, #tpu.memory_space<hbm>>) target(%dma_start3A_13 : memref<128xf32, #tpu.memory_space<vmem>>) offsets(%dma_start3A_15 : memref<128xi32, #tpu.memory_space<vmem>>) semaphore(%arg8 : memref<!tpu.dma_semaphore, #tpu.memory_space<semaphore_mem>>)
    %dma_start3A_18 = arith.constant 256 : i32
    %dma_start3A_19 = tpu.memref_slice %arg7[%dma_start3A_18] : memref<512xf32, #tpu.memory_space<vmem>> -> memref<128xf32, #tpu.memory_space<vmem>>
    %dma_start3A_20 = arith.constant 256 : i32
    %dma_start3A_21 = tpu.memref_slice %arg6[%dma_start3A_20] : memref<512xi32, #tpu.memory_space<vmem>> -> memref<128xi32, #tpu.memory_space<vmem>>
    %dma_start3A_22 = arith.constant 0 : i32
    %dma_start3A_23 = tpu.memref_slice %arg3[%dma_start3A_22] : memref<1048576xf32, #tpu.memory_space<hbm>> -> memref<1048576xf32, #tpu.memory_space<hbm>>
    tpu.enqueue_indirect_dma source(%dma_start3A_23 : memref<1048576xf32, #tpu.memory_space<hbm>>) target(%dma_start3A_19 : memref<128xf32, #tpu.memory_space<vmem>>) offsets(%dma_start3A_21 : memref<128xi32, #tpu.memory_space<vmem>>) semaphore(%arg8 : memref<!tpu.dma_semaphore, #tpu.memory_space<semaphore_mem>>)
    %dma_start3A_24 = arith.constant 384 : i32
    %dma_start3A_25 = tpu.memref_slice %arg7[%dma_start3A_24] : memref<512xf32, #tpu.memory_space<vmem>> -> memref<128xf32, #tpu.memory_space<vmem>>
    %dma_start3A_26 = arith.constant 384 : i32
    %dma_start3A_27 = tpu.memref_slice %arg6[%dma_start3A_26] : memref<512xi32, #tpu.memory_space<vmem>> -> memref<128xi32, #tpu.memory_space<vmem>>
    %dma_start3A_28 = arith.constant 0 : i32
    %dma_start3A_29 = tpu.memref_slice %arg3[%dma_start3A_28] : memref<1048576xf32, #tpu.memory_space<hbm>> -> memref<1048576xf32, #tpu.memory_space<hbm>>
    tpu.enqueue_indirect_dma source(%dma_start3A_29 : memref<1048576xf32, #tpu.memory_space<hbm>>) target(%dma_start3A_25 : memref<128xf32, #tpu.memory_space<vmem>>) offsets(%dma_start3A_27 : memref<128xi32, #tpu.memory_space<vmem>>) semaphore(%arg8 : memref<!tpu.dma_semaphore, #tpu.memory_space<semaphore_mem>>)
    %dma_wait3A = arith.constant 0 : i32
    %dma_wait3A_30 = tpu.memref_slice %arg7[%dma_wait3A] : memref<512xf32, #tpu.memory_space<vmem>> -> memref<128xf32, #tpu.memory_space<vmem>>
    %dma_wait3A_31 = arith.constant 0 : i32
    %dma_wait3A_32 = tpu.memref_slice %arg6[%dma_wait3A_31] : memref<512xi32, #tpu.memory_space<vmem>> -> memref<128xi32, #tpu.memory_space<vmem>>
    %dma_wait3A_33 = arith.constant 0 : i32
    %dma_wait3A_34 = tpu.memref_slice %arg3[%dma_wait3A_33] : memref<1048576xf32, #tpu.memory_space<hbm>> -> memref<1048576xf32, #tpu.memory_space<hbm>>
    tpu.wait_indirect_dma semaphore(%arg8 : memref<!tpu.dma_semaphore, #tpu.memory_space<semaphore_mem>>) src(%dma_wait3A_34 : memref<1048576xf32, #tpu.memory_space<hbm>>) dst(%dma_wait3A_30 : memref<128xf32, #tpu.memory_space<vmem>>)
    %dma_wait3A_35 = arith.constant 128 : i32
    %dma_wait3A_36 = tpu.memref_slice %arg7[%dma_wait3A_35] : memref<512xf32, #tpu.memory_space<vmem>> -> memref<128xf32, #tpu.memory_space<vmem>>
    %dma_wait3A_37 = arith.constant 128 : i32
    %dma_wait3A_38 = tpu.memref_slice %arg6[%dma_wait3A_37] : memref<512xi32, #tpu.memory_space<vmem>> -> memref<128xi32, #tpu.memory_space<vmem>>
    %dma_wait3A_39 = arith.constant 0 : i32
    %dma_wait3A_40 = tpu.memref_slice %arg3[%dma_wait3A_39] : memref<1048576xf32, #tpu.memory_space<hbm>> -> memref<1048576xf32, #tpu.memory_space<hbm>>
    tpu.wait_indirect_dma semaphore(%arg8 : memref<!tpu.dma_semaphore, #tpu.memory_space<semaphore_mem>>) src(%dma_wait3A_40 : memref<1048576xf32, #tpu.memory_space<hbm>>) dst(%dma_wait3A_36 : memref<128xf32, #tpu.memory_space<vmem>>)
    %dma_wait3A_41 = arith.constant 256 : i32
    %dma_wait3A_42 = tpu.memref_slice %arg7[%dma_wait3A_41] : memref<512xf32, #tpu.memory_space<vmem>> -> memref<128xf32, #tpu.memory_space<vmem>>
    %dma_wait3A_43 = arith.constant 256 : i32
    %dma_wait3A_44 = tpu.memref_slice %arg6[%dma_wait3A_43] : memref<512xi32, #tpu.memory_space<vmem>> -> memref<128xi32, #tpu.memory_space<vmem>>
    %dma_wait3A_45 = arith.constant 0 : i32
    %dma_wait3A_46 = tpu.memref_slice %arg3[%dma_wait3A_45] : memref<1048576xf32, #tpu.memory_space<hbm>> -> memref<1048576xf32, #tpu.memory_space<hbm>>
    tpu.wait_indirect_dma semaphore(%arg8 : memref<!tpu.dma_semaphore, #tpu.memory_space<semaphore_mem>>) src(%dma_wait3A_46 : memref<1048576xf32, #tpu.memory_space<hbm>>) dst(%dma_wait3A_42 : memref<128xf32, #tpu.memory_space<vmem>>)
    %dma_wait3A_47 = arith.constant 384 : i32
    %dma_wait3A_48 = tpu.memref_slice %arg7[%dma_wait3A_47] : memref<512xf32, #tpu.memory_space<vmem>> -> memref<128xf32, #tpu.memory_space<vmem>>
    %dma_wait3A_49 = arith.constant 384 : i32
    %dma_wait3A_50 = tpu.memref_slice %arg6[%dma_wait3A_49] : memref<512xi32, #tpu.memory_space<vmem>> -> memref<128xi32, #tpu.memory_space<vmem>>
    %dma_wait3A_51 = arith.constant 0 : i32
    %dma_wait3A_52 = tpu.memref_slice %arg3[%dma_wait3A_51] : memref<1048576xf32, #tpu.memory_space<hbm>> -> memref<1048576xf32, #tpu.memory_space<hbm>>
    tpu.wait_indirect_dma semaphore(%arg8 : memref<!tpu.dma_semaphore, #tpu.memory_space<semaphore_mem>>) src(%dma_wait3A_52 : memref<1048576xf32, #tpu.memory_space<hbm>>) dst(%dma_wait3A_48 : memref<128xf32, #tpu.memory_space<vmem>>)
    "tpu.region"() ({
      %run_scoped3A = tpu.sem_alloc : memref<!tpu.dma_semaphore, #tpu.memory_space<semaphore_mem>>
      %dma_start3A_53 = tpu.memref_slice %arg4[%mul3A_2] : memref<16384xf32, #tpu.memory_space<hbm>> -> memref<512xf32, #tpu.memory_space<hbm>>
      %dma_start3A_54 = tpu.memref_slice %arg4[%mul3A_2] : memref<16384xf32, #tpu.memory_space<hbm>> -> memref<512xf32, #tpu.memory_space<hbm>>
      tpu.enqueue_dma source(%arg7 : memref<512xf32, #tpu.memory_space<vmem>>) target(%dma_start3A_54 : memref<512xf32, #tpu.memory_space<hbm>>) target_semaphore(%run_scoped3A : memref<!tpu.dma_semaphore, #tpu.memory_space<semaphore_mem>>)
      %dma_wait3A_55 = tpu.memref_slice %arg4[%mul3A_2] : memref<16384xf32, #tpu.memory_space<hbm>> -> memref<512xf32, #tpu.memory_space<hbm>>
      %dma_wait3A_56 = tpu.memref_slice %arg4[%mul3A_2] : memref<16384xf32, #tpu.memory_space<hbm>> -> memref<512xf32, #tpu.memory_space<hbm>>
      tpu.wait_dma2 semaphore(%run_scoped3A : memref<!tpu.dma_semaphore, #tpu.memory_space<semaphore_mem>>) src(%arg7 : memref<512xf32, #tpu.memory_space<vmem>>) dst(%dma_wait3A_56 : memref<512xf32, #tpu.memory_space<hbm>>)
      tpu.yield
    }) : () -> ()
    return
  }
}

</mosaic_0001>

<sc_bundles>
// kernel: kernel.3.cloned.1.call-start
scs
__scs_entry_jumppad:
0x0: {  	(pc) =	sbr.rel $0x88, $3  }
0x1: {  	(tag) =	ssettag $0x0;
	lr =	simm.s32 $0x1  }
0x2: {  	[smem:$0x3F9F] =	sst lr;
	_ =	strace $0xD0000000  }
0x3: {  	_ = 	snop  }
0x4: {  	_ = 	snop  }
0x5: {  	_ = 	snop  }
0x6: {  	_ = 	snop  }
0x7: {  	_ = 	snop  }
__scs_overlays_trampoline_lowered:
0x8: {  	[smem:$0x3FAE] =	sst s0  }
0x9: {  	[smem:$0x3FAF] =	sst s1  }
0xa: {  	[smem:$0x3FB0] =	sst s2  }
0xb: {  	[smem:$0x3FB1] =	sst s3  }
0xc: {  	[smem:$0x3FB2] =	sst s4  }
0xd: {  	[smem:$0x3FB3] =	sst s5  }
0xe: {  	[smem:$0x3FB4] =	sst s6  }
0xf: {  	[smem:$0x3FB5] =	sst s7  }
0x10: {  	[smem:$0x3FB6] =	sst s8  }
0x11: {  	[smem:$0x3FB7] =	sst s9;
	s0 =	simm.s32 @!p0 $0x0  }
0x12: {  	s1 =	sld [smem:$0x3F9D];
	s0 =	simm.s32 @p0 $0x1  }
0x13: {  	[smem:$0x3FB8] =	sst s0;
	s0 =	simm.s32 @!p1 $0x0  }
0x14: {  	s2 =	sld [smem:$0x3F9C];
	s0 =	simm.s32 @p1 $0x1  }
0x15: {  	[smem:$0x3FB9] =	sst s0;
	s0 =	simm.s32 @!p2 $0x0  }
0x16: {  	s3 =	sld [smem:$0x3FDB];
	s0 =	simm.s32 @p2 $0x1  }
0x17: {  	s4 =	simm.s32 $0x1BF5;
	[smem:$0x3FBB] =	sst s0  }
0x18: {  	s0 =	sld [smem:$0x3F9E];
	_ =	swait.ge [sflag:s4], $0x0  }
0x19: {  	s7 =	sld [smem:$0x3F9F]  }
0x1a: {  	s8 =	sadd.s32 $0xFFFFE003, lr  }
0x1b: {  	s9 =	sadd.s32 $0xFFFFFEF7, lr;
	s5 =	simm.s32 $0xFFFFFFFF;
	p2 =	slt.u32 s8, $0xFFFFF086  }
0x1c: {  	p1 =	slt.u32 s9, $0xF7A;
	s5 =	simm.s32 @!p2 $0x0  }
0x1d: {  	s5 =	simm.s32 @p1 $0x1;
	p0 =	seq.s32 s7, s2  }
0x1e: {  	s7 =	smul.u32 @!p0 $0xF7A, s2;
	p2 =	seq.s32 @!p0 s5, $0x0  }
0x1f: {  	s9 =	smul.u32 $0xF7A, s1;
	s8 =	simm.s32 @!p0 $0x1BF5;
	p2 =	por !p2, p0  }
0x20: {  	[sflag:s8] =	ssyncset.s32 @!p0 $0xFFFFF086;
	s6 =	sadd.s32 @!p0 s3, s7;
	s7 =	simm.s32 @!p0 $0x108  }
0x21: {  	s3 =	sadd.s32 s3, s9;
	s6 =	sadd.s32 @!p0 $0x88, s6;
	s7 =	simm.s32 @p2 $0x1082  }
0x22: {  	[simem:s7], [sflag:s8] =	dma.local @!p0 [hbm:s6], $0xF7A  }
0x23: {  	s9 =	sor.u32 $0xD0000000, s2;
	s6 =	simm.s32 $0x108;
	_ =	swait.ge @!p0 [sflag:s8], $0x0  }
0x24: {  	s3 =	sadd.s32 $0x88, s3;
	s6 =	simm.s32 @!p1 $0x1082;
	[sflag:s4] =	ssyncset.s32 $0xFFFFF086  }
0x25: {  	[simem:s6], [sflag:s4] =	dma.local [hbm:s3], $0xF7A  }
0x26: {  	[smem:$0x3F9F] =	sst s1;
	(tag) =	ssettag s2;
	_ =	strace s9  }
0x27: {  	s1 =	sld [smem:$0x3FAF]  }
0x28: {  	s2 =	sld [smem:$0x3FB0]  }
0x29: {  	s4 =	sld [smem:$0x3FB2]  }
0x2a: {  	p0 =	seq.s32 s5, $0x0;
	s5 =	sld [smem:$0x3FB3]  }
0x2b: {  	s6 =	sld [smem:$0x3FB4]  }
0x2c: {  	s7 =	sld [smem:$0x3FB5]  }
0x2d: {  	s3 =	simm.s32 $0x108;
	s8 =	sld [smem:$0x3FB6]  }
0x2e: {  	s3 =	simm.s32 @!p0 $0x1082;
	s9 =	sld [smem:$0x3FB7]  }
0x2f: {  	lr =	sadd.s32 s0, s3;
	s0 =	sld [smem:$0x3FAE]  }
0x30: {  	s3 =	sld [smem:$0x3FB1]  }
0x31: {  	[smem:$0x3FBA] =	sst s10  }
0x32: {  	s10 =	sld [smem:$0x3FB8];
	_ =	sdelay $0x3  }
0x33: {  	p0 =	seq.s32 s10, $0x1;
	s10 =	sld [smem:$0x3FBA];
	_ =	sdelay $0x3  }
0x34: {  	[smem:$0x3FBA] =	sst s10  }
0x35: {  	s10 =	sld [smem:$0x3FB9];
	_ =	sdelay $0x3  }
0x36: {  	p1 =	seq.s32 s10, $0x1;
	s10 =	sld [smem:$0x3FBA];
	_ =	sdelay $0x3  }
0x37: {  	[smem:$0x3FBA] =	sst s10  }
0x38: {  	s10 =	sld [smem:$0x3FBB]  }
0x39: {  	_ = 	snop;
	(pc) =	sbr.ind lr, $3  }
0x3a: {  	_ = 	snop  }
0x3b: {  	_ = 	snop  }
0x3c: {  	p2 =	seq.s32 s10, $0x1;
	s10 =	sld [smem:$0x3FBA]  }
0x3d: {  	_ =	shalt  }
0x3e: {  	_ =	shalt  }
0x3f: {  	_ =	shalt  }
0x40: {  	_ =	shalt  }
0x41: {  	_ =	shalt  }
0x42: {  	_ =	shalt  }
0x43: {  	_ =	shalt  }
0x44: {  	_ =	shalt  }
0x45: {  	_ =	shalt  }
0x46: {  	_ =	shalt  }
0x47: {  	_ =	shalt  }
0x48: {  	_ =	shalt  }
0x49: {  	_ =	shalt  }
0x4a: {  	_ =	shalt  }
0x4b: {  	_ =	shalt  }
0x4c: {  	_ =	shalt  }
0x4d: {  	_ =	shalt  }
0x4e: {  	_ =	shalt  }
0x4f: {  	_ =	shalt  }
0x50: {  	_ =	shalt  }
0x51: {  	_ =	shalt  }
0x52: {  	_ =	shalt  }
0x53: {  	_ =	shalt  }
0x54: {  	_ =	shalt  }
0x55: {  	_ =	shalt  }
0x56: {  	_ =	shalt  }
0x57: {  	_ =	shalt  }
0x58: {  	_ =	shalt  }
0x59: {  	_ =	shalt  }
0x5a: {  	_ =	shalt  }
0x5b: {  	_ =	shalt  }
0x5c: {  	_ =	shalt  }
0x5d: {  	_ =	shalt  }
0x5e: {  	_ =	shalt  }
0x5f: {  	_ =	shalt  }
0x60: {  	_ =	shalt  }
0x61: {  	_ =	shalt  }
0x62: {  	_ =	shalt  }
0x63: {  	_ =	shalt  }
0x64: {  	_ =	shalt  }
0x65: {  	_ =	shalt  }
0x66: {  	_ =	shalt  }
0x67: {  	_ =	shalt  }
0x68: {  	_ =	shalt  }
0x69: {  	_ =	shalt  }
0x6a: {  	_ =	shalt  }
0x6b: {  	_ =	shalt  }
0x6c: {  	_ =	shalt  }
0x6d: {  	_ =	shalt  }
0x6e: {  	_ =	shalt  }
0x6f: {  	_ =	shalt  }
0x70: {  	_ =	shalt  }
0x71: {  	_ =	shalt  }
0x72: {  	_ =	shalt  }
0x73: {  	_ =	shalt  }
0x74: {  	_ =	shalt  }
0x75: {  	_ =	shalt  }
0x76: {  	_ =	shalt  }
0x77: {  	_ =	shalt  }
0x78: {  	_ =	shalt  }
0x79: {  	_ =	shalt  }
0x7a: {  	_ =	shalt  }
0x7b: {  	_ =	shalt  }
0x7c: {  	_ =	shalt  }
0x7d: {  	_ =	shalt  }
0x7e: {  	_ =	shalt  }
0x7f: {  	_ =	shalt  }
0x80: {  	_ =	shalt  }
0x81: {  	_ =	shalt  }
0x82: {  	_ =	shalt  }
0x83: {  	_ =	shalt  }
0x84: {  	_ =	shalt  }
0x85: {  	_ =	shalt  }
0x86: {  	_ =	shalt  }
0x87: {  	_ =	shalt  }
.Lfunc_end0:
.L_simem_size_0:
called_computation_lowered:
.L_overlay_start_0:
0x88: {  	s2 =	sld [smem:$0x3FD9]  }
0x89: {  	s3 =	sld [smem:$0x3FFE];
	_ =	sdelay $0x1  }
0x8a: {  	s1 =	srdreg.scid  }
0x8b: {  	s0 =	sand.u32 $0x1, s1  }
0x8c: {  	s18 =	sshll.u32 s0, $0xA;
	s2 =	sadd.s32 s3, s2  }
0x8d: {  	s2 =	sadd.s32 s2, s18  }
0x8e: {  	[smem:$0x3FC6] =	sst s2  }
0x8f: {  	_ = 	snop  }
0x90: {  	s2 =	sld [smem:$0x3FC9]  }
0x91: {  	s19 =	sld [smem:$0x3FC8]  }
0x92: {  	s4 =	sld [smem:$0x3FD0];
	(tm) =	ssettm $0x1  }
0x93: {  	s5 =	sld [smem:$0x3FFB];
	_ =	sdelay $0x3  }
0x94: {  	_ =	strace s5  }
0x95: {  	s5 =	sld [smem:$0x3FFC];
	_ =	sdelay $0x3  }
0x96: {  	_ =	strace s5  }
0x97: {  	s5 =	sld [smem:$0x3FFD];
	_ =	sdelay $0x3  }
0x98: {  	_ =	strace s5  }
0x99: {  	_ =	strace $0x8FFFFFFF  }
0x9a: {  	s20 =	sld [smem:$0x3FDB];
	_ =	sdelay $0x1  }
0x9b: {  	s6 =	simm.s32 $_scs_section_size  }
0x9c: {  	s7 =	simm.s32 $_size__tile_overlayer_lowered;
	s8 =	simm.s32 $_tile_overlayer_lowered  }
0x9d: {  	s23 =	simm.s32 $0x1BFF;
	s22 =	sshll.u32 s8, $0x1;
	s5 =	sadd.s32 s6, s20  }
0x9e: {  	s9 =	simm.s32 $0x0;
	s21 =	sshll.u32 s7, $0x1;
	s7 =	sadd.s32 s22, s5  }
0x9f: {  	[timem:s9], [sflag:s23] =	dma.local [hbm:s7], s21  }
0xa0: {  	_ =	swait.ge [sflag:s23], s21  }
0xa1: {  	s6 =	ssub.s32 $0x0, s21;
	[sflag:s23] =	ssyncset.done $0x0  }
0xa2: {  	[sflag:s23] =	ssyncadd.s32 s6;
	_ =	sdelay $0x1  }
0xa3: {  	s24 =	simm.s32 $0x1B8B  }
0xa4: {  	_ =	swait.ge [sflag:s24], $0x1  }
0xa5: {  	[sflag:s24] =	ssyncset.done $0x0  }
0xa6: {  	s25 =	simm.s32 $0x1B8E;
	[sflag:s24] =	ssyncadd.s32 $0xFFFFFFFF  }
0xa7: {  	s26 =	simm.s32 $execute0_lowered;
	[smem:$0x3FD2] =	sst s25  }
0xa8: {  	s6 =	sshll.u32 s26, $0x1;
	_ =	strace $0x80000046;
	[dreg:$0x1] =	wrdreg $0xFFFFFFFF  }
0xa9: {  	s28 =	simm.s32 $_size_execute0_lowered;
	s5 =	sadd.s32 s5, s6;
	[dreg:$0x0] =	wrdreg $0x0  }
0xaa: {  	s6 =	sshll.u32 s28, $0x1;
	[dreg:$0x2] =	wrdreg s5  }
0xab: {  	[dreg:$0x3] =	wrdreg s6  }
0xac: {  	[dreg:$0x4] =	wrdreg $0xC0  }
0xad: {  	_ =	task [dreg:s9], $0x5FFFF  }
0xae: {  	[dreg:$0x1] =	wrdreg $0xFFFFFFFF  }
0xaf: {  	[dreg:$0x0] =	wrdreg $0x60  }
0xb0: {  	[dreg:$0x2] =	wrdreg s2  }
0xb1: {  	[dreg:$0x3] =	wrdreg s19  }
0xb2: {  	[dreg:$0x4] =	wrdreg s4  }
0xb3: {  	[dreg:$0x5] =	wrdreg $0x9  }
0xb4: {  	_ =	task.clear_ibuf [dreg:s9], $0x6FFFF;
	_ =	strace $0x90000046  }
0xb5: {  	s29 =	simm.s32 $0x9;
	_ =	strace $0x80000048  }
0xb6: {  	_ =	swait.ge [sflag:s29], $0x1  }
0xb7: {  	[sflag:s29] =	ssyncadd.s32 $0xFFFFFFFF  }
0xb8: {  	_ =	strace $0x90000048  }
0xb9: {  	_ =	sfence  }
0xba: {  	s30 =	sld [smem:$0x0];
	_ =	sdelay $0x2  }
0xbb: {  	s31 =	sshll.u32 s1, $0xD;
	s1 =	sshrl.u32 s1, $0x2  }
0xbc: {  	s3 =	sand.u32 $0x4000, s31;
	s1 =	sadd.s32 s1, s30  }
0xbd: {  	s0 =	sor.u32 s3, s0;
	s1 =	sshll.u32 s1, $0x11  }
0xbe: {  	s0 =	sor.u32 s1, s0  }
0xbf: {  	s0 =	sadd.s32 $0x8F2B, s0  }
0xc0: {  	[sflag:s0] =	ssyncadd.remote.s32 $0x1  }
0xc1: {  	_ =	sfence.sel $0xFFFF  }
0xc2: {  	[dreg:$0x0] =	wrdreg $0xFFFFFFFF;
	(pc) =	sbr.abs _section_cstart, $3  }
0xc3: {  	[dreg:$0x1] =	wrdreg $0xFFFFFFFF  }
0xc4: {  	_ =	task.clear_ibuf [dreg:s9], $0x2FFFF;
	_ =	strace $0x9FFFFFFF  }
0xc5: {  	(tm) =	ssettm $0x7FFFFFFF  }
tec
execute0_lowered:
.L_overlay_start_1:
0x0: {  	(tag) =	ssettag $0x1  }
0x1: {  	s4 =	rddreg [dreg:$0x0]  }
0x2: {  	s2 =	rddreg [dreg:$0x1]  }
0x3: {  	s5 =	rddreg [dreg:$0x2];
	s3 =	srdreg.scid  }
0x4: {  	s0 =	rddreg [dreg:$0x3];
	s1 =	stileid.u32;
	s10 =	simm.s32 $0x80  }
0x5: {  	s11 =	simm.s32 $0x3000;
	s12 =	simm.s32 $0x3200;
	s13 =	simm.s32 $0x3080  }
0x6: {  	s14 =	simm.s32 $0x3280;
	s15 =	simm.s32 $0x3100;
	s16 =	simm.s32 $0x3300  }
0x7: {  	s17 =	simm.s32 $0x3180;
	s18 =	simm.s32 $0x3380;
	s19 =	simm.s32 $0x1  }
0x8: {  	s20 =	simm.s32 $0x0;
	s6 =	sand.u32 $0x1, s3;
	s3 =	simm.s32 $0x0  }
0x9: {  	s7 =	sshll.u32 s1, $0xA;
	s8 =	sshll.u32 s6, $0x9;
	[smem:$0x7FF] =	sst s3  }
0xa: {  	s6 =	ssub.s32 $0x2, s6;
	s7 =	sor.u32 s8, s7;
	_ =	strace $0x80000047  }
0xb: {  	s31 =	sshrl.u32 s6, $0x1;
	s8 =	simm.s32 $0x20000;
	s9 =	sshrl.u32 s7, $0x3  }
0xc: {  	s6 =	ssub.s32 s6, s31;
	s4 =	sadd.s32 s4, s7;
	s7 =	simm.s32 $0x1000  }
0xd: {  	s5 =	sadd.s32 s5, s9;
	s6 =	smax.u32 s6, $0x1;
	s9 =	simm.s32 $0x2  }
.LBB2_1:
0xe: {  	[tilespmem:s3], [sflag:$0x2] =	stream.strided.gather [hbm4b:s4+s7], $0x3000, s8, s7, $0x38;
	[tilespmem:$0x3400] =	vst v63  }
0xf: {  	_ =	swait.ge [sflag:s9], $0x3000  }
0x10: {  	s21 =	sand.u32 $0x70, s3;
	s22 =	sand.u32 $0xC00, s3;
	[sflag:s9] =	ssyncset.done $0x0  }
0x11: {  	s21 =	sor.u32 s21, s22;
	[sflag:s9] =	ssyncadd.s32 $0xFFFFD000  }
0x12: {  	v0 =	vld [tilespmem:s21+$0x1380]  }
0x13: {  	v1 =	vld [tilespmem:s21+$0x1180]  }
0x14: {  	v2 =	vld [tilespmem:s21+$0x380]  }
0x15: {  	v3 =	vld [tilespmem:s21+$0x100]  }
0x16: {  	v4 =	vld [tilespmem:s21+$0x0]  }
0x17: {  	v5 =	vld [tilespmem:s21+$0x80]  }
0x18: {  	v6 =	vld [tilespmem:s21+$0x180]  }
0x19: {  	v7 =	vld [tilespmem:s21+$0x200]  }
0x1a: {  	v8 =	vld [tilespmem:s21+$0x280]  }
0x1b: {  	v9 =	vld [tilespmem:s21+$0x300]  }
0x1c: {  	v10 =	vld [tilespmem:s21+$0x1000];
	v4 =	vshll.u32 v4, $0x2;
	v5 =	vshll.u32 v5, $0x1  }
0x1d: {  	v4 =	vadd.s32 v4, v5;
	v5 =	vld [tilespmem:s21+$0x1080]  }
0x1e: {  	v58 =	vld [tilespmem:s21+$0x1100];
	v57 =	vshll.u32 v7, $0x2;
	v3 =	vadd.s32 v3, v4;
	v4 =	vshll.u32 v6, $0x3  }
0x1f: {  	v60 =	vld [tilespmem:s21+$0x1200];
	v59 =	vshll.u32 v8, $0x1;
	v3 =	vshll.u32 v3, $0x4;
	v4 =	vadd.s32 v57, v4  }
0x20: {  	v61 =	vld [tilespmem:s21+$0x1280];
	v3 =	vadd.s32 v4, v3;
	v4 =	vadd.s32 v59, v9  }
0x21: {  	v62 =	vld [tilespmem:s21+$0x1300];
	v2 =	vshll.u32 v2, $0x3;
	v3 =	vadd.s32 v3, v4;
	v4 =	vshll.u32 v10, $0x2  }
0x22: {  	v3 =	vshll.u32 v3, $0x4;
	v2 =	vadd.s32 v4, v2;
	v4 =	vshll.u32 v5, $0x1;
	v5 =	vld [tilespmem:s21+$0x2000]  }
0x23: {  	v2 =	vadd.s32 v2, v3;
	v3 =	vadd.s32 v4, v58;
	v4 =	vld [tilespmem:s21+$0x2080]  }
0x24: {  	v63 =	vld [tilespmem:s21+$0x2100];
	v1 =	vshll.u32 v1, $0x3;
	v2 =	vadd.s32 v2, v3;
	v3 =	vshll.u32 v60, $0x2  }
0x25: {  	v2 =	vshll.u32 v2, $0x4;
	v1 =	vadd.s32 v3, v1;
	v3 =	vshll.u32 v61, $0x1  }
0x26: {  	v1 =	vadd.s32 v1, v2;
	v2 =	vadd.s32 v3, v62  }
0x27: {  	v0 =	vshll.u32 v0, $0x3;
	v3 =	vld [tilespmem:s21+$0x2180];
	v1 =	vadd.s32 v1, v2;
	v2 =	vshll.u32 v5, $0x2  }
0x28: {  	v1 =	vshll.u32 v1, $0x4;
	v0 =	vadd.s32 v2, v0;
	v2 =	vshll.u32 v4, $0x1  }
0x29: {  	v0 =	vadd.s32 v0, v1;
	v1 =	vadd.s32 v2, v63  }
0x2a: {  	v0 =	vadd.s32 v0, v1  }
0x2b: {  	s30 =	simm.s32 $0x10;
	s23 =	simm.s32 $0x80;
	v0 =	vshll.u32 v0, $0x1  }
0x2c: {  	s31 =	sand.u32 $0xC00, s23;
	s21 =	sand.u32 $0x70, s30;
	v0 =	vadd.s32 v3, v0  }
0x2d: {  	s22 =	sor.u32 s21, s31;
	[tilespmem:s11+$0x0] =	vst v0  }
0x2e: {  	v0 =	vld [tilespmem:s22+$0x1380]  }
0x2f: {  	v1 =	vld [tilespmem:s22+$0x1180]  }
0x30: {  	v2 =	vld [tilespmem:s22+$0x380]  }
0x31: {  	s24 =	simm.s32 $0x20;
	s21 =	simm.s32 $0x3000;
	v3 =	vld [tilespmem:s22+$0x100]  }
.LBB2_2:
0x32: {  	p0 =	sne.s32 s24, $0x1F0;
	v4 =	vld [tilespmem:s22+$0x0]  }
0x33: {  	v5 =	vld [tilespmem:s22+$0x80]  }
0x34: {  	v6 =	vld [tilespmem:s22+$0x180]  }
0x35: {  	v7 =	vld [tilespmem:s22+$0x200]  }
0x36: {  	v8 =	vld [tilespmem:s22+$0x280]  }
0x37: {  	v9 =	vld [tilespmem:s22+$0x300]  }
0x38: {  	v4 =	vshll.u32 v4, $0x2;
	v5 =	vshll.u32 v5, $0x1;
	v10 =	vld [tilespmem:s22+$0x1000]  }
0x39: {  	v4 =	vadd.s32 v4, v5;
	v5 =	vld [tilespmem:s22+$0x1080]  }
0x3a: {  	v3 =	vadd.s32 v3, v4;
	v4 =	vshll.u32 v6, $0x3;
	v6 =	vshll.u32 v7, $0x2;
	v7 =	vld [tilespmem:s22+$0x1100]  }
0x3b: {  	v3 =	vshll.u32 v3, $0x4;
	v4 =	vadd.s32 v6, v4;
	v6 =	vshll.u32 v8, $0x1;
	v8 =	vld [tilespmem:s22+$0x1200]  }
0x3c: {  	v3 =	vadd.s32 v4, v3;
	v4 =	vadd.s32 v6, v9;
	v6 =	vld [tilespmem:s22+$0x1280]  }
0x3d: {  	v2 =	vshll.u32 v2, $0x3;
	v3 =	vadd.s32 v3, v4;
	v4 =	vshll.u32 v10, $0x2;
	v9 =	vld [tilespmem:s22+$0x1300]  }
0x3e: {  	v3 =	vshll.u32 v3, $0x4;
	v2 =	vadd.s32 v4, v2;
	v4 =	vshll.u32 v5, $0x1;
	v5 =	vld [tilespmem:s22+$0x2000]  }
0x3f: {  	v2 =	vadd.s32 v2, v3;
	v3 =	vadd.s32 v4, v7;
	v4 =	vld [tilespmem:s22+$0x2080]  }
0x40: {  	v1 =	vshll.u32 v1, $0x3;
	v2 =	vadd.s32 v2, v3;
	v3 =	vshll.u32 v8, $0x2;
	v7 =	vld [tilespmem:s22+$0x2100]  }
0x41: {  	v2 =	vshll.u32 v2, $0x4;
	v1 =	vadd.s32 v3, v1;
	v3 =	vshll.u32 v6, $0x1  }
0x42: {  	v1 =	vadd.s32 v1, v2;
	v2 =	vadd.s32 v3, v9  }
0x43: {  	v0 =	vshll.u32 v0, $0x3;
	v1 =	vadd.s32 v1, v2;
	v2 =	vshll.u32 v5, $0x2;
	v3 =	vld [tilespmem:s22+$0x2180]  }
0x44: {  	v1 =	vshll.u32 v1, $0x4;
	v0 =	vadd.s32 v2, v0;
	v2 =	vshll.u32 v4, $0x1  }
0x45: {  	v0 =	vadd.s32 v0, v1;
	v1 =	vadd.s32 v2, v7  }
0x46: {  	v0 =	vadd.s32 v0, v1  }
0x47: {  	s23 =	sadd.s32 $0x80, s23;
	v0 =	vshll.u32 v0, $0x1  }
0x48: {  	s21 =	sadd.s32 $0x10, s21;
	s25 =	sand.u32 $0xC00, s23;
	s22 =	sand.u32 $0x70, s24;
	v0 =	vadd.s32 v3, v0  }
.Ltmp0:
0x49: {  	s22 =	sor.u32 s22, s25;
	[tilespmem:s21+$0x0] =	vst v0;
	(pc) =	sbr.rel @p0 .LBB2_2-.Ltmp0, $4  }
0x4a: {  	v0 =	vld [tilespmem:s22+$0x1380]  }
0x4b: {  	v1 =	vld [tilespmem:s22+$0x1180]  }
0x4c: {  	v2 =	vld [tilespmem:s22+$0x380]  }
0x4d: {  	s24 =	sadd.s32 $0x10, s24;
	v3 =	vld [tilespmem:s22+$0x100]  }
0x4e: {  	v4 =	vld [tilespmem:s22+$0x0]  }
0x4f: {  	v5 =	vld [tilespmem:s22+$0x80]  }
0x50: {  	v6 =	vld [tilespmem:s22+$0x180]  }
0x51: {  	v7 =	vld [tilespmem:s22+$0x200]  }
0x52: {  	v8 =	vld [tilespmem:s22+$0x280]  }
0x53: {  	v9 =	vld [tilespmem:s22+$0x300]  }
0x54: {  	v10 =	vld [tilespmem:s22+$0x1000];
	v4 =	vshll.u32 v4, $0x2;
	v5 =	vshll.u32 v5, $0x1  }
0x55: {  	v42 =	vld [tilespmem:s22+$0x1080];
	v4 =	vadd.s32 v4, v5  }
0x56: {  	v45 =	vld [tilespmem:s22+$0x1100];
	v43 =	vshll.u32 v6, $0x3;
	v44 =	vshll.u32 v7, $0x2;
	v3 =	vadd.s32 v3, v4  }
0x57: {  	v47 =	vld [tilespmem:s22+$0x1200];
	v46 =	vshll.u32 v8, $0x1;
	v4 =	vadd.s32 v44, v43;
	v3 =	vshll.u32 v3, $0x4  }
0x58: {  	v49 =	vld [tilespmem:s22+$0x1280];
	v48 =	vadd.s32 v46, v9;
	v3 =	vadd.s32 v4, v3  }
0x59: {  	v51 =	vld [tilespmem:s22+$0x1300];
	v2 =	vshll.u32 v2, $0x3;
	v50 =	vshll.u32 v10, $0x2;
	v3 =	vadd.s32 v3, v48  }
0x5a: {  	v53 =	vld [tilespmem:s22+$0x2000];
	v52 =	vshll.u32 v42, $0x1;
	v2 =	vadd.s32 v50, v2;
	v3 =	vshll.u32 v3, $0x4  }
0x5b: {  	v55 =	vld [tilespmem:s22+$0x2080];
	v54 =	vadd.s32 v52, v45;
	v2 =	vadd.s32 v2, v3  }
0x5c: {  	v57 =	vld [tilespmem:s22+$0x2100];
	v1 =	vshll.u32 v1, $0x3;
	v56 =	vshll.u32 v47, $0x2;
	v2 =	vadd.s32 v2, v54  }
0x5d: {  	v58 =	vshll.u32 v49, $0x1;
	v1 =	vadd.s32 v56, v1;
	v2 =	vshll.u32 v2, $0x4  }
0x5e: {  	v59 =	vadd.s32 v58, v51;
	v1 =	vadd.s32 v1, v2  }
0x5f: {  	v61 =	vld [tilespmem:s22+$0x2180];
	v0 =	vshll.u32 v0, $0x3;
	v60 =	vshll.u32 v53, $0x2;
	v1 =	vadd.s32 v1, v59  }
0x60: {  	v62 =	vshll.u32 v55, $0x1;
	v0 =	vadd.s32 v60, v0;
	v1 =	vshll.u32 v1, $0x4  }
0x61: {  	v63 =	vadd.s32 v62, v57;
	v0 =	vadd.s32 v0, v1  }
0x62: {  	v0 =	vadd.s32 v0, v63  }
0x63: {  	v0 =	vshll.u32 v0, $0x1  }
0x64: {  	s21 =	sadd.s32 $0x10, s21;
	v0 =	vadd.s32 v61, v0  }
0x65: {  	[tilespmem:s21+$0x0] =	vst v0  }
0x66: {  	[tilespmem:s12], [sflag:$0x1] =	stream.indirect.gather [hbm4b:s2+s10], $0x1, s11, s10, $0xb8;
	[tilespmem:$0x3400] =	vst v63  }
0x67: {  	_ = 	snop  }
0x68: {  	[tilespmem:s14], [sflag:$0x1] =	stream.indirect.gather [hbm4b:s2+s10], $0x1, s13, s10, $0xb8;
	[tilespmem:$0x3400] =	vst v63  }
0x69: {  	_ = 	snop  }
0x6a: {  	[tilespmem:s16], [sflag:$0x1] =	stream.indirect.gather [hbm4b:s2+s10], $0x1, s15, s10, $0xb8;
	[tilespmem:$0x3400] =	vst v63  }
0x6b: {  	_ = 	snop  }
0x6c: {  	[tilespmem:s18], [sflag:$0x1] =	stream.indirect.gather [hbm4b:s2+s10], $0x1, s17, s10, $0xb8;
	[tilespmem:$0x3400] =	vst v63  }
0x6d: {  	_ =	swait.ge [sflag:s19], $0x80  }
0x6e: {  	[sflag:s19] =	ssyncset.done $0x0  }
0x6f: {  	[sflag:s19] =	ssyncadd.s32 $0xFFFFFF80  }
0x70: {  	_ =	swait.ge [sflag:s19], $0x80  }
0x71: {  	[sflag:s19] =	ssyncset.done $0x0  }
0x72: {  	[sflag:s19] =	ssyncadd.s32 $0xFFFFFF80  }
0x73: {  	_ =	swait.ge [sflag:s19], $0x80  }
0x74: {  	[sflag:s19] =	ssyncset.done $0x0  }
0x75: {  	[sflag:s19] =	ssyncadd.s32 $0xFFFFFF80  }
0x76: {  	s20 =	sadd.s32 $0x1, s20;
	_ =	swait.ge [sflag:s19], $0x80  }
0x77: {  	p0 =	sne.s32 s20, s6;
	[sflag:s19] =	ssyncset.done $0x0  }
.Ltmp1:
0x78: {  	[sflag:s19] =	ssyncadd.s32 $0xFFFFFF80;
	(pc) =	sbr.rel @p0 .LBB2_1-.Ltmp1, $4  }
0x79: {  	[hbm4b:s5+s3] =	stream.linear.scatter [tilespmem:s12], [sflag:$0x2], $0x200, $0x38;
	[tilespmem:$0x3400] =	vst v63  }
0x7a: {  	_ =	swait.ge [sflag:s9], $0x200  }
0x7b: {  	[sflag:s9] =	ssyncset.done $0x0  }
0x7c: {  	[sflag:s9] =	ssyncadd.s32 $0xFFFFFE00  }
0x7d: {  	_ =	sfence.sel $0x180000  }
0x7e: {  	[bflag:$0x0] =	sbarrier.arrive $0xFFFF  }
0x7f: {  	p0 =	sne.s32 s1, $0x0;
	_ =	strace $0x90000047  }
0x80: {  	s0 =	sadd.s32 @!p0 $0x100000, s0;
	[bflag:$0x2] =	sbarrier.arrive $0xFFFF  }
0x81: {  	[sflag:s0] =	ssyncadd.tile.s32 @!p0 $0x1;
	_ =	shalt  }
.Lfunc_end2:
_tile_overlayer_lowered:
.L_overlay_start_2:
0x82: {  	(tag) =	ssettag $0x2  }
0x83: {  	s0 =	rddreg [dreg:$0x0];
	s2 =	stileid.u32  }
0x84: {  	s1 =	rddreg [dreg:$0x1];
	p0 =	sne.s32 s2, $0x0  }
0x85: {  	s3 =	rddreg [dreg:$0x2];
	[bflag:$0x3] =	sbarrier.arrive $0xFFFF;
	s2 =	simm.s32 @!p0 $0x1C02  }
0x86: {  	[timem:s3], [sflag:s2] =	dma.local @!p0 [hbm:s0], s1  }
0x87: {  	s0 =	simm.s32 @!p0 $0x2  }
0x88: {  	_ =	swait.ge @!p0 [sflag:s0], s1  }
0x89: {  	s1 =	ssub.s32 @!p0 $0x0, s1;
	[sflag:s0] =	ssyncset.done @!p0 $0x0  }
0x8a: {  	[sflag:s0] =	ssyncadd.s32 @!p0 s1  }
0x8b: {  	[bflag:$0x3] =	sbarrier.arrive $0xFFFF  }
0x8c: {  	_ =	shalt  }

</sc_bundles>
